<compile_context>
chip_gen: v7x
topology: tpu7x:2x2x1
jax: 0.10.2.dev20260603
libtpu: 0.0.44.dev20260713+nightly
codegen_flags: <defaults>
</compile_context>

<pallas_src>
import functools

import jax
import jax.numpy as jnp
from jax.experimental import pallas as pl
from jax.experimental.pallas import tpu as pltpu

_TILE_B = 16
_K = 4


def _leaky(x):
    return jnp.where(x >= 0, x, 0.2 * x)


def _graph_conv_kernel(nv, v_ref, ci_ref, msk_ref, f_ref, w1_ref,
                       b1_ref, w2_ref, b2_ref, w3_ref, b3_ref, cw_ref, cb_ref,
                       x_ref, sum_ref, ssq_ref):
    rows = v_ref.shape[0]
    f32 = jnp.float32
    bf = jnp.bfloat16
    Vb = v_ref[...]
    ci = ci_ref[...]
    msk = msk_ref[...]

    def dott_bf(a, b):
        return jax.lax.dot_general(a.astype(bf), b.astype(bf),
                                   (((1,), (1,)), ((), ())),
                                   preferred_element_type=f32)

    E = dott_bf(Vb, Vb)
    s2r = jnp.sum(Vb * Vb, axis=1, keepdims=True)
    s2c = jnp.transpose(s2r)
    D = ((-2.0 * E + s2c) + s2r) + msk

    inf = jnp.float32(jnp.inf)
    big = jnp.float32(1e9)
    ohs = []
    for _ in range(_K):
        mn = jnp.min(D, axis=1, keepdims=True)
        pos = jnp.where(D == mn, ci, big)
        first = jnp.min(pos, axis=1, keepdims=True)
        o = ci == first
        ohs.append(o.astype(f32))
        D = jnp.where(o, inf, D)

    ohsT = jnp.concatenate(ohs, axis=0)
    vks = jax.lax.dot_general(ohsT, Vb, (((1,), (0,)), ((), ())),
                              precision=jax.lax.Precision.HIGHEST,
                              preferred_element_type=f32)
    v0 = vks[0:rows]
    v0s = jnp.concatenate([v0, v0, v0, v0], axis=0)

    w1 = w1_ref[...]
    b1 = b1_ref[...]
    w2 = w2_ref[...]
    b2 = b2_ref[...]
    w3bf = w3_ref[...].astype(bf).astype(f32)
    b3 = b3_ref[0, 0]

    d = v0s - vks
    nr = jnp.sqrt(jnp.sum(d * d, axis=1, keepdims=True) + 1e-12)
    h = (dott_bf(v0s, w1[:, 0:3]) + dott_bf(vks, w1[:, 3:6])
         + dott_bf(d, w1[:, 6:9]) + dott_bf(nr, w1[:, 9:10]) + b1)
    h = _leaky(h)
    h = _leaky(dott_bf(h, w2) + b2)
    hbf = h.astype(bf).astype(f32)
    s = jnp.sum(hbf * w3bf, axis=1, keepdims=True) + b3

    A = (s[0:rows] * ohs[0] + s[rows:2 * rows] * ohs[1]
         + s[2 * rows:3 * rows] * ohs[2] + s[3 * rows:] * ohs[3])

    Fb = f_ref[...].astype(bf)
    X1 = jax.lax.dot_general(A.astype(bf), Fb, (((1,), (0,)), ((), ())),
                             preferred_element_type=f32)
    X = jax.lax.dot_general(X1.astype(bf), cw_ref[...],
                            (((1,), (1,)), ((), ())),
                            preferred_element_type=f32) + cb_ref[...]
    x_ref[...] = X.astype(bf)

    @pl.when(pl.program_id(0) == 0)
    def _init():
        sum_ref[...] = jnp.zeros_like(sum_ref)
        ssq_ref[...] = jnp.zeros_like(ssq_ref)

    sum_ref[...] += jnp.sum(X, axis=0, keepdims=True)
    ssq_ref[...] += jnp.sum(X * X, axis=0, keepdims=True)


def _bn_kernel(nrows, x_ref, sum_ref, ssq_ref, g_ref, bt_ref, o_ref):
    n = jnp.float32(nrows)
    mean = sum_ref[...] / n
    var = ssq_ref[...] / n - mean * mean
    rstd = jax.lax.rsqrt(var + 1e-5)
    y = (x_ref[...].astype(jnp.float32) - mean) * rstd * g_ref[...] + bt_ref[...]
    o_ref[...] = _leaky(y)


def kernel(F, V, R_w1, R_b1, R_w2, R_b2, R_w3, R_b3, conv_w, conv_b,
           bn_gamma, bn_beta):
    B, NV, D = F.shape
    rows = B * NV
    F2 = F.reshape(rows, D)
    V2 = V.reshape(rows, 3).astype(jnp.float32)
    tile = _TILE_B * NV
    grid = rows // tile

    ci2 = jax.lax.broadcasted_iota(jnp.float32, (tile, tile), 1)
    rb = jax.lax.broadcasted_iota(jnp.int32, (tile, tile), 0) // NV
    cb = jax.lax.broadcasted_iota(jnp.int32, (tile, tile), 1) // NV
    msk2 = jnp.where(rb == cb, 0.0, jnp.inf).astype(jnp.float32)

    b1 = R_b1.reshape(1, 10)
    b2 = R_b2.reshape(1, 10)
    b3 = R_b3.reshape(1, 1)
    cwbf = conv_w.astype(jnp.bfloat16)
    cb_ = conv_b.reshape(1, D)
    g = bn_gamma.reshape(1, D)
    bt = bn_beta.reshape(1, D)

    def full(shp):
        return pl.BlockSpec(shp, lambda i: tuple(0 for _ in shp))

    x, ssum, ssq = pl.pallas_call(
        functools.partial(_graph_conv_kernel, NV),
        grid=(grid,),
        in_specs=[
            pl.BlockSpec((tile, 3), lambda i: (i, 0)),
            full((tile, tile)),
            full((tile, tile)),
            pl.BlockSpec((tile, D), lambda i: (i, 0)),
            full((10, 10)), full((1, 10)), full((10, 10)), full((1, 10)),
            full((1, 10)),
            pl.BlockSpec((1, 1), lambda i: (0, 0), memory_space=pltpu.SMEM),
            full((D, D)), full((1, D)),
        ],
        out_specs=[
            pl.BlockSpec((tile, D), lambda i: (i, 0)),
            full((1, D)),
            full((1, D)),
        ],
        out_shape=[
            jax.ShapeDtypeStruct((rows, D), jnp.bfloat16),
            jax.ShapeDtypeStruct((1, D), jnp.float32),
            jax.ShapeDtypeStruct((1, D), jnp.float32),
        ],
    )(V2, ci2, msk2, F2, R_w1, b1, R_w2, b2, R_w3, b3, cwbf, cb_)

    tile2 = 2048
    grid2 = rows // tile2
    out = pl.pallas_call(
        functools.partial(_bn_kernel, rows),
        grid=(grid2,),
        in_specs=[
            pl.BlockSpec((tile2, D), lambda i: (i, 0)),
            full((1, D)), full((1, D)), full((1, D)), full((1, D)),
        ],
        out_specs=pl.BlockSpec((tile2, D), lambda i: (i, 0)),
        out_shape=jax.ShapeDtypeStruct((rows, D), jnp.float32),
    )(x, ssum, ssq, g, bt)
    return out.reshape(B, NV, D)

# --- scband reference (transcript-rebuilt; emitter-appended) ---
"""Pipeline reference for scband-view-gcn-77060303225310 (READ-ONLY COPY).

The authoritative reference and input builder live on the scoring server;
editing this copy changes nothing except your own understanding.
"""

import jax, jax.numpy as jnp
import numpy as np

B, NV, D, K = 1024, 20, 512, 4


def leaky(x):
    return jnp.where(x >= 0, x, 0.2 * x)


def setup_inputs(seed: int = 0) -> dict:
    key = jax.random.key(seed)
    ks = jax.random.split(key, 12)
    inp = {}
    inp["F"] = jax.random.normal(ks[0], (B, NV, D), dtype=jnp.float32)
    inp["V"] = jax.random.normal(ks[1], (B, NV, 3), dtype=jnp.float32)
    # KNN_dist.R MLP params (torch Linear: W [out,in], b [out])
    inp["R_w1"] = jax.random.normal(ks[2], (10, 10), dtype=jnp.float32) * 0.3
    inp["R_b1"] = jnp.zeros((10,), dtype=jnp.float32)
    inp["R_w2"] = jax.random.normal(ks[3], (10, 10), dtype=jnp.float32) * 0.3
    inp["R_b2"] = jnp.zeros((10,), dtype=jnp.float32)
    inp["R_w3"] = jax.random.normal(ks[4], (1, 10), dtype=jnp.float32) * 0.3
    inp["R_b3"] = jnp.zeros((1,), dtype=jnp.float32)
    # LocalGCN.conv: Linear(512,512) + BatchNorm1d(512)
    inp["conv_w"] = jax.random.normal(ks[5], (D, D), dtype=jnp.float32) * (1.0 / np.sqrt(D))
    inp["conv_b"] = jnp.zeros((D,), dtype=jnp.float32)
    inp["bn_gamma"] = jnp.ones((D,), dtype=jnp.float32)
    inp["bn_beta"] = jnp.zeros((D,), dtype=jnp.float32)
    return inp


def _square_distance(src, dst):
    # [B,N,M]
    d = -2.0 * jnp.einsum("bnc,bmc->bnm", src, dst)
    d = d + jnp.sum(src ** 2, -1)[:, :, None]
    d = d + jnp.sum(dst ** 2, -1)[:, None, :]
    return d


def _knn(nsample, xyz, new_xyz):
    dist = _square_distance(xyz, new_xyz)  # [B,N,M]
    # torch: topk over dim=1 (N, smallest), then transpose -> [B,M,k]
    negT = -jnp.transpose(dist, (0, 2, 1))  # [B,M,N]
    _, idx = jax.lax.top_k(negT, nsample)  # [B,M,k]
    return idx


def _index_points(points, idx):
    # points [B,N,C], idx [B,M,k] -> [B,M,k,C]
    return jax.vmap(lambda p, i: p[i])(points, idx)


def reference(F, V, R_w1, R_b1, R_w2, R_b2, R_w3, R_b3, conv_w, conv_b, bn_gamma, bn_beta):
    vertices = V.astype(jnp.float32)
    idx = _knn(K, vertices, vertices)  # [B,NV,K]
    Fk = _index_points(F, idx)  # [B,NV,K,D]
    v = _index_points(vertices, idx)  # [B,NV,K,3]
    v0 = v[:, :, 0:1, :]
    v0r = jnp.repeat(v0, K, axis=2)
    diff = v0r - v
    nrm = jnp.sqrt(jnp.sum(diff ** 2, axis=-1, keepdims=True) + 1e-12)
    v_F = jnp.concatenate([v0r, v, diff, nrm], axis=-1)  # [B,NV,K,10]
    h = leaky(v_F @ R_w1.T + R_b1)
    h = leaky(h @ R_w2.T + R_b2)
    s = h @ R_w3.T + R_b3  # [B,NV,K,1]
    Fagg = jnp.sum(s * Fk, axis=-2)  # [B,NV,D]
    x = Fagg.reshape(-1, D)
    x = x @ conv_w.T + conv_b
    mean = jnp.mean(x, axis=0)
    var = jnp.var(x, axis=0)
    x = (x - mean) / jnp.sqrt(var + 1e-5) * bn_gamma + bn_beta
    x = leaky(x)
    return x.reshape(-1, NV, D)

if __name__ == "__main__":
    import jax
    _d = setup_inputs()
    print(jax.jit(kernel)(*tuple(_d.values())))

</pallas_src>

<mosaic_0001>
module attributes {stable_mosaic.version = 14 : i64} {
  func.func @_graph_conv_kernel(%arg0: i32, %arg1: memref<320x3xf32, #tpu.memory_space<vmem>>, %arg2: memref<320x320xf32, #tpu.memory_space<vmem>>, %arg3: memref<320x320xf32, #tpu.memory_space<vmem>>, %arg4: memref<320x512xf32, #tpu.memory_space<vmem>>, %arg5: memref<10x10xf32, #tpu.memory_space<vmem>>, %arg6: memref<1x10xf32, #tpu.memory_space<vmem>>, %arg7: memref<10x10xf32, #tpu.memory_space<vmem>>, %arg8: memref<1x10xf32, #tpu.memory_space<vmem>>, %arg9: memref<1x10xf32, #tpu.memory_space<vmem>>, %arg10: memref<1x1xf32, #tpu.memory_space<smem>>, %arg11: memref<512x512xbf16, #tpu.memory_space<vmem>>, %arg12: memref<1x512xf32, #tpu.memory_space<vmem>>, %arg13: memref<320x512xbf16, #tpu.memory_space<vmem>>, %arg14: memref<1x512xf32, #tpu.memory_space<vmem>>, %arg15: memref<1x512xf32, #tpu.memory_space<vmem>>) attributes {dimension_semantics = [#tpu.dimension_semantics<arbitrary>], iteration_bounds = array<i64: 64>, scalar_prefetch = 0 : i64, scratch_operands = 0 : i64, tpu.core_type = #tpu.core_type<tc>, window_params = [{transform_indices = @transform_0, window_bounds = array<i64: 320, 3>}, {pipeline_mode = #tpu.pipeline_mode<synchronous>, transform_indices = @transform_1, window_bounds = array<i64: 320, 320>}, {pipeline_mode = #tpu.pipeline_mode<synchronous>, transform_indices = @transform_2, window_bounds = array<i64: 320, 320>}, {transform_indices = @transform_3, window_bounds = array<i64: 320, 512>}, {pipeline_mode = #tpu.pipeline_mode<synchronous>, transform_indices = @transform_4, window_bounds = array<i64: 10, 10>}, {pipeline_mode = #tpu.pipeline_mode<synchronous>, transform_indices = @transform_5, window_bounds = array<i64: 1, 10>}, {pipeline_mode = #tpu.pipeline_mode<synchronous>, transform_indices = @transform_6, window_bounds = array<i64: 10, 10>}, {pipeline_mode = #tpu.pipeline_mode<synchronous>, transform_indices = @transform_7, window_bounds = array<i64: 1, 10>}, {pipeline_mode = #tpu.pipeline_mode<synchronous>, transform_indices = @transform_8, window_bounds = array<i64: 1, 10>}, {transform_indices = @transform_9, window_bounds = array<i64: 1, 1>}, {pipeline_mode = #tpu.pipeline_mode<synchronous>, transform_indices = @transform_10, window_bounds = array<i64: 512, 512>}, {pipeline_mode = #tpu.pipeline_mode<synchronous>, transform_indices = @transform_11, window_bounds = array<i64: 1, 512>}, {transform_indices = @transform_12, window_bounds = array<i64: 320, 512>}, {pipeline_mode = #tpu.pipeline_mode<synchronous>, transform_indices = @transform_13, window_bounds = array<i64: 1, 512>}, {pipeline_mode = #tpu.pipeline_mode<synchronous>, transform_indices = @transform_14, window_bounds = array<i64: 1, 512>}]} {
    %get3A = arith.constant 0 : index
    %get3A_0 = arith.constant 0 : index
    %get3A_1 = vector.load %arg1[%get3A, %get3A_0] : memref<320x3xf32, #tpu.memory_space<vmem>>, vector<320x3xf32>
    %get3A_2 = arith.constant 0 : index
    %get3A_3 = arith.constant 0 : index
    %get3A_4 = vector.load %arg2[%get3A_2, %get3A_3] : memref<320x320xf32, #tpu.memory_space<vmem>>, vector<320x320xf32>
    %get3A_5 = arith.constant 0 : index
    %get3A_6 = arith.constant 0 : index
    %get3A_7 = vector.load %arg3[%get3A_5, %get3A_6] : memref<320x320xf32, #tpu.memory_space<vmem>>, vector<320x320xf32>
    %convert_element_type3A = arith.truncf %get3A_1 : vector<320x3xf32> to vector<320x3xbf16>
    %convert_element_type3A_8 = arith.truncf %get3A_1 : vector<320x3xf32> to vector<320x3xbf16>
    %dot_general3A = arith.constant dense<0.000000e+00> : vector<320x320xf32>
    %dot_general3A_9 = tpu.matmul %convert_element_type3A, %convert_element_type3A_8, %dot_general3A {dimension_numbers = #tpu.dot_dimension_numbers<[1], [1], [0], [0], [0, 0, 1, 0], [], []>, transpose_lhs_hint = false} : vector<320x3xbf16>, vector<320x3xbf16>, vector<320x320xf32> -> vector<320x320xf32>
    %mul3A = arith.mulf %get3A_1, %get3A_1 : vector<320x3xf32>
    %reduce_sum3A = arith.constant dense<0.000000e+00> : vector<320xf32>
    %reduce_sum3A_10 = vector.multi_reduction <add>, %mul3A, %reduce_sum3A [1] : vector<320x3xf32> to vector<320xf32>
    %broadcast_in_dim3A = vector.shape_cast %reduce_sum3A_10 : vector<320xf32> to vector<320x1xf32>
    %transpose3A = tpu.transpose %broadcast_in_dim3A, [1, 0] : vector<320x1xf32> -> vector<1x320xf32>
    %mul3A_11 = arith.constant -2.000000e+00 : f32
    %mul3A_12 = vector.broadcast %mul3A_11 : f32 to vector<320x320xf32>
    %mul3A_13 = arith.mulf %mul3A_12, %dot_general3A_9 : vector<320x320xf32>
    %add3A = vector.broadcast %transpose3A : vector<1x320xf32> to vector<320x320xf32>
    %add3A_14 = arith.addf %mul3A_13, %add3A : vector<320x320xf32>
    %add3A_15 = vector.broadcast %broadcast_in_dim3A : vector<320x1xf32> to vector<320x320xf32>
    %add3A_16 = arith.addf %add3A_14, %add3A_15 : vector<320x320xf32>
    %add3A_17 = arith.addf %add3A_16, %get3A_7 : vector<320x320xf32>
    %reduce_min3A = arith.constant dense<0x7F800000> : vector<320xf32>
    %reduce_min3A_18 = vector.multi_reduction <minimumf>, %add3A_17, %reduce_min3A [1] : vector<320x320xf32> to vector<320xf32>
    %broadcast_in_dim3A_19 = vector.shape_cast %reduce_min3A_18 : vector<320xf32> to vector<320x1xf32>
    %eq3A = vector.broadcast %broadcast_in_dim3A_19 : vector<320x1xf32> to vector<320x320xf32>
    %eq3A_20 = arith.cmpf oeq, %add3A_17, %eq3A : vector<320x320xf32>
    %jit3A = arith.constant 1.000000e+09 : f32
    %broadcast_in_dim3A_21 = vector.broadcast %jit3A : f32 to vector<320x320xf32>
    %select_n3A = arith.select %eq3A_20, %get3A_4, %broadcast_in_dim3A_21 : vector<320x320xi1>, vector<320x320xf32>
    %reduce_min3A_22 = arith.constant dense<0x7F800000> : vector<320xf32>
    %reduce_min3A_23 = vector.multi_reduction <minimumf>, %select_n3A, %reduce_min3A_22 [1] : vector<320x320xf32> to vector<320xf32>
    %broadcast_in_dim3A_24 = vector.shape_cast %reduce_min3A_23 : vector<320xf32> to vector<320x1xf32>
    %eq3A_25 = vector.broadcast %broadcast_in_dim3A_24 : vector<320x1xf32> to vector<320x320xf32>
    %eq3A_26 = arith.cmpf oeq, %get3A_4, %eq3A_25 : vector<320x320xf32>
    %convert_element_type3A_27 = arith.extui %eq3A_26 : vector<320x320xi1> to vector<320x320xi32>
    %convert_element_type3A_28 = arith.sitofp %convert_element_type3A_27 : vector<320x320xi32> to vector<320x320xf32>
    %jit3A_29 = arith.constant 0x7F800000 : f32
    %broadcast_in_dim3A_30 = vector.broadcast %jit3A_29 : f32 to vector<320x320xf32>
    %select_n3A_31 = arith.select %eq3A_26, %broadcast_in_dim3A_30, %add3A_17 : vector<320x320xi1>, vector<320x320xf32>
    %reduce_min3A_32 = arith.constant dense<0x7F800000> : vector<320xf32>
    %reduce_min3A_33 = vector.multi_reduction <minimumf>, %select_n3A_31, %reduce_min3A_32 [1] : vector<320x320xf32> to vector<320xf32>
    %broadcast_in_dim3A_34 = vector.shape_cast %reduce_min3A_33 : vector<320xf32> to vector<320x1xf32>
    %eq3A_35 = vector.broadcast %broadcast_in_dim3A_34 : vector<320x1xf32> to vector<320x320xf32>
    %eq3A_36 = arith.cmpf oeq, %select_n3A_31, %eq3A_35 : vector<320x320xf32>
    %jit3A_37 = arith.constant 1.000000e+09 : f32
    %broadcast_in_dim3A_38 = vector.broadcast %jit3A_37 : f32 to vector<320x320xf32>
    %select_n3A_39 = arith.select %eq3A_36, %get3A_4, %broadcast_in_dim3A_38 : vector<320x320xi1>, vector<320x320xf32>
    %reduce_min3A_40 = arith.constant dense<0x7F800000> : vector<320xf32>
    %reduce_min3A_41 = vector.multi_reduction <minimumf>, %select_n3A_39, %reduce_min3A_40 [1] : vector<320x320xf32> to vector<320xf32>
    %broadcast_in_dim3A_42 = vector.shape_cast %reduce_min3A_41 : vector<320xf32> to vector<320x1xf32>
    %eq3A_43 = vector.broadcast %broadcast_in_dim3A_42 : vector<320x1xf32> to vector<320x320xf32>
    %eq3A_44 = arith.cmpf oeq, %get3A_4, %eq3A_43 : vector<320x320xf32>
    %convert_element_type3A_45 = arith.extui %eq3A_44 : vector<320x320xi1> to vector<320x320xi32>
    %convert_element_type3A_46 = arith.sitofp %convert_element_type3A_45 : vector<320x320xi32> to vector<320x320xf32>
    %jit3A_47 = arith.constant 0x7F800000 : f32
    %broadcast_in_dim3A_48 = vector.broadcast %jit3A_47 : f32 to vector<320x320xf32>
    %select_n3A_49 = arith.select %eq3A_44, %broadcast_in_dim3A_48, %select_n3A_31 : vector<320x320xi1>, vector<320x320xf32>
    %reduce_min3A_50 = arith.constant dense<0x7F800000> : vector<320xf32>
    %reduce_min3A_51 = vector.multi_reduction <minimumf>, %select_n3A_49, %reduce_min3A_50 [1] : vector<320x320xf32> to vector<320xf32>
    %broadcast_in_dim3A_52 = vector.shape_cast %reduce_min3A_51 : vector<320xf32> to vector<320x1xf32>
    %eq3A_53 = vector.broadcast %broadcast_in_dim3A_52 : vector<320x1xf32> to vector<320x320xf32>
    %eq3A_54 = arith.cmpf oeq, %select_n3A_49, %eq3A_53 : vector<320x320xf32>
    %jit3A_55 = arith.constant 1.000000e+09 : f32
    %broadcast_in_dim3A_56 = vector.broadcast %jit3A_55 : f32 to vector<320x320xf32>
    %select_n3A_57 = arith.select %eq3A_54, %get3A_4, %broadcast_in_dim3A_56 : vector<320x320xi1>, vector<320x320xf32>
    %reduce_min3A_58 = arith.constant dense<0x7F800000> : vector<320xf32>
    %reduce_min3A_59 = vector.multi_reduction <minimumf>, %select_n3A_57, %reduce_min3A_58 [1] : vector<320x320xf32> to vector<320xf32>
    %broadcast_in_dim3A_60 = vector.shape_cast %reduce_min3A_59 : vector<320xf32> to vector<320x1xf32>
    %eq3A_61 = vector.broadcast %broadcast_in_dim3A_60 : vector<320x1xf32> to vector<320x320xf32>
    %eq3A_62 = arith.cmpf oeq, %get3A_4, %eq3A_61 : vector<320x320xf32>
    %convert_element_type3A_63 = arith.extui %eq3A_62 : vector<320x320xi1> to vector<320x320xi32>
    %convert_element_type3A_64 = arith.sitofp %convert_element_type3A_63 : vector<320x320xi32> to vector<320x320xf32>
    %jit3A_65 = arith.constant 0x7F800000 : f32
    %broadcast_in_dim3A_66 = vector.broadcast %jit3A_65 : f32 to vector<320x320xf32>
    %select_n3A_67 = arith.select %eq3A_62, %broadcast_in_dim3A_66, %select_n3A_49 : vector<320x320xi1>, vector<320x320xf32>
    %reduce_min3A_68 = arith.constant dense<0x7F800000> : vector<320xf32>
    %reduce_min3A_69 = vector.multi_reduction <minimumf>, %select_n3A_67, %reduce_min3A_68 [1] : vector<320x320xf32> to vector<320xf32>
    %broadcast_in_dim3A_70 = vector.shape_cast %reduce_min3A_69 : vector<320xf32> to vector<320x1xf32>
    %eq3A_71 = vector.broadcast %broadcast_in_dim3A_70 : vector<320x1xf32> to vector<320x320xf32>
    %eq3A_72 = arith.cmpf oeq, %select_n3A_67, %eq3A_71 : vector<320x320xf32>
    %jit3A_73 = arith.constant 1.000000e+09 : f32
    %broadcast_in_dim3A_74 = vector.broadcast %jit3A_73 : f32 to vector<320x320xf32>
    %select_n3A_75 = arith.select %eq3A_72, %get3A_4, %broadcast_in_dim3A_74 : vector<320x320xi1>, vector<320x320xf32>
    %reduce_min3A_76 = arith.constant dense<0x7F800000> : vector<320xf32>
    %reduce_min3A_77 = vector.multi_reduction <minimumf>, %select_n3A_75, %reduce_min3A_76 [1] : vector<320x320xf32> to vector<320xf32>
    %broadcast_in_dim3A_78 = vector.shape_cast %reduce_min3A_77 : vector<320xf32> to vector<320x1xf32>
    %eq3A_79 = vector.broadcast %broadcast_in_dim3A_78 : vector<320x1xf32> to vector<320x320xf32>
    %eq3A_80 = arith.cmpf oeq, %get3A_4, %eq3A_79 : vector<320x320xf32>
    %convert_element_type3A_81 = arith.extui %eq3A_80 : vector<320x320xi1> to vector<320x320xi32>
    %convert_element_type3A_82 = arith.sitofp %convert_element_type3A_81 : vector<320x320xi32> to vector<320x320xf32>
    %concatenate3A = tpu.concatenate %convert_element_type3A_28, %convert_element_type3A_46, %convert_element_type3A_64, %convert_element_type3A_82 in 0 : vector<320x320xf32>, vector<320x320xf32>, vector<320x320xf32>, vector<320x320xf32> -> vector<1280x320xf32>
    %dot_general3A_83 = arith.constant dense<0.000000e+00> : vector<1280x3xf32>
    %dot_general3A_84 = tpu.matmul %concatenate3A, %get3A_1, %dot_general3A_83 {dimension_numbers = #tpu.dot_dimension_numbers<[1], [0], [0], [1], [0, 0, 1, 1], [], []>, precision = #tpu.contract_precision<fp32>, transpose_lhs_hint = false} : vector<1280x320xf32>, vector<320x3xf32>, vector<1280x3xf32> -> vector<1280x3xf32>
    %slice3A = vector.extract_strided_slice %dot_general3A_84 {offsets = [0, 0], sizes = [320, 3], strides = [1, 1]} : vector<1280x3xf32> to vector<320x3xf32>
    %concatenate3A_85 = tpu.concatenate %slice3A, %slice3A, %slice3A, %slice3A in 0 : vector<320x3xf32>, vector<320x3xf32>, vector<320x3xf32>, vector<320x3xf32> -> vector<1280x3xf32>
    %get3A_86 = arith.constant 0 : index
    %get3A_87 = arith.constant 0 : index
    %get3A_88 = vector.load %arg5[%get3A_86, %get3A_87] : memref<10x10xf32, #tpu.memory_space<vmem>>, vector<10x10xf32>
    %get3A_89 = arith.constant 0 : index
    %get3A_90 = arith.constant 0 : index
    %get3A_91 = vector.load %arg6[%get3A_89, %get3A_90] : memref<1x10xf32, #tpu.memory_space<vmem>>, vector<1x10xf32>
    %get3A_92 = arith.constant 0 : index
    %get3A_93 = arith.constant 0 : index
    %get3A_94 = vector.load %arg7[%get3A_92, %get3A_93] : memref<10x10xf32, #tpu.memory_space<vmem>>, vector<10x10xf32>
    %get3A_95 = arith.constant 0 : index
    %get3A_96 = arith.constant 0 : index
    %get3A_97 = vector.load %arg8[%get3A_95, %get3A_96] : memref<1x10xf32, #tpu.memory_space<vmem>>, vector<1x10xf32>
    %get3A_98 = arith.constant 0 : index
    %get3A_99 = arith.constant 0 : index
    %get3A_100 = vector.load %arg9[%get3A_98, %get3A_99] : memref<1x10xf32, #tpu.memory_space<vmem>>, vector<1x10xf32>
    %convert_element_type3A_101 = arith.truncf %get3A_100 : vector<1x10xf32> to vector<1x10xbf16>
    %convert_element_type3A_102 = arith.extf %convert_element_type3A_101 : vector<1x10xbf16> to vector<1x10xf32>
    %get3A_103 = arith.constant 0 : index
    %get3A_104 = arith.constant 0 : index
    %get3A_105 = memref.load %arg10[%get3A_103, %get3A_104] : memref<1x1xf32, #tpu.memory_space<smem>>
    %sub3A = arith.subf %concatenate3A_85, %dot_general3A_84 : vector<1280x3xf32>
    %mul3A_106 = arith.mulf %sub3A, %sub3A : vector<1280x3xf32>
    %reduce_sum3A_107 = arith.constant dense<0.000000e+00> : vector<1280xf32>
    %reduce_sum3A_108 = vector.multi_reduction <add>, %mul3A_106, %reduce_sum3A_107 [1] : vector<1280x3xf32> to vector<1280xf32>
    %broadcast_in_dim3A_109 = vector.shape_cast %reduce_sum3A_108 : vector<1280xf32> to vector<1280x1xf32>
    %add3A_110 = arith.constant 9.99999996E-13 : f32
    %add3A_111 = vector.broadcast %add3A_110 : f32 to vector<1280x1xf32>
    %add3A_112 = arith.addf %broadcast_in_dim3A_109, %add3A_111 : vector<1280x1xf32>
    %sqrt3A = math.sqrt %add3A_112 : vector<1280x1xf32>
    %slice3A_113 = vector.extract_strided_slice %get3A_88 {offsets = [0, 0], sizes = [10, 3], strides = [1, 1]} : vector<10x10xf32> to vector<10x3xf32>
    %convert_element_type3A_114 = arith.truncf %concatenate3A_85 : vector<1280x3xf32> to vector<1280x3xbf16>
    %convert_element_type3A_115 = arith.truncf %slice3A_113 : vector<10x3xf32> to vector<10x3xbf16>
    %dot_general3A_116 = arith.constant dense<0.000000e+00> : vector<1280x10xf32>
    %dot_general3A_117 = tpu.matmul %convert_element_type3A_114, %convert_element_type3A_115, %dot_general3A_116 {dimension_numbers = #tpu.dot_dimension_numbers<[1], [1], [0], [0], [0, 0, 1, 0], [], []>, transpose_lhs_hint = false} : vector<1280x3xbf16>, vector<10x3xbf16>, vector<1280x10xf32> -> vector<1280x10xf32>
    %slice3A_118 = vector.extract_strided_slice %get3A_88 {offsets = [0, 3], sizes = [10, 3], strides = [1, 1]} : vector<10x10xf32> to vector<10x3xf32>
    %convert_element_type3A_119 = arith.truncf %dot_general3A_84 : vector<1280x3xf32> to vector<1280x3xbf16>
    %convert_element_type3A_120 = arith.truncf %slice3A_118 : vector<10x3xf32> to vector<10x3xbf16>
    %dot_general3A_121 = arith.constant dense<0.000000e+00> : vector<1280x10xf32>
    %dot_general3A_122 = tpu.matmul %convert_element_type3A_119, %convert_element_type3A_120, %dot_general3A_121 {dimension_numbers = #tpu.dot_dimension_numbers<[1], [1], [0], [0], [0, 0, 1, 0], [], []>, transpose_lhs_hint = false} : vector<1280x3xbf16>, vector<10x3xbf16>, vector<1280x10xf32> -> vector<1280x10xf32>
    %add3A_123 = arith.addf %dot_general3A_117, %dot_general3A_122 : vector<1280x10xf32>
    %slice3A_124 = vector.extract_strided_slice %get3A_88 {offsets = [0, 6], sizes = [10, 3], strides = [1, 1]} : vector<10x10xf32> to vector<10x3xf32>
    %convert_element_type3A_125 = arith.truncf %sub3A : vector<1280x3xf32> to vector<1280x3xbf16>
    %convert_element_type3A_126 = arith.truncf %slice3A_124 : vector<10x3xf32> to vector<10x3xbf16>
    %dot_general3A_127 = arith.constant dense<0.000000e+00> : vector<1280x10xf32>
    %dot_general3A_128 = tpu.matmul %convert_element_type3A_125, %convert_element_type3A_126, %dot_general3A_127 {dimension_numbers = #tpu.dot_dimension_numbers<[1], [1], [0], [0], [0, 0, 1, 0], [], []>, transpose_lhs_hint = false} : vector<1280x3xbf16>, vector<10x3xbf16>, vector<1280x10xf32> -> vector<1280x10xf32>
    %add3A_129 = arith.addf %add3A_123, %dot_general3A_128 : vector<1280x10xf32>
    %slice3A_130 = vector.extract_strided_slice %get3A_88 {offsets = [0, 9], sizes = [10, 1], strides = [1, 1]} : vector<10x10xf32> to vector<10x1xf32>
    %convert_element_type3A_131 = arith.truncf %sqrt3A : vector<1280x1xf32> to vector<1280x1xbf16>
    %convert_element_type3A_132 = arith.truncf %slice3A_130 : vector<10x1xf32> to vector<10x1xbf16>
    %dot_general3A_133 = arith.constant dense<0.000000e+00> : vector<1280x10xf32>
    %dot_general3A_134 = tpu.matmul %convert_element_type3A_131, %convert_element_type3A_132, %dot_general3A_133 {dimension_numbers = #tpu.dot_dimension_numbers<[1], [1], [0], [0], [0, 0, 1, 0], [], []>, transpose_lhs_hint = false} : vector<1280x1xbf16>, vector<10x1xbf16>, vector<1280x10xf32> -> vector<1280x10xf32>
    %add3A_135 = arith.addf %add3A_129, %dot_general3A_134 : vector<1280x10xf32>
    %add3A_136 = vector.broadcast %get3A_91 : vector<1x10xf32> to vector<1280x10xf32>
    %add3A_137 = arith.addf %add3A_135, %add3A_136 : vector<1280x10xf32>
    %ge3A = arith.constant 0.000000e+00 : f32
    %ge3A_138 = vector.broadcast %ge3A : f32 to vector<1280x10xf32>
    %ge3A_139 = arith.cmpf oge, %add3A_137, %ge3A_138 : vector<1280x10xf32>
    %mul3A_140 = arith.constant 2.000000e-01 : f32
    %mul3A_141 = vector.broadcast %mul3A_140 : f32 to vector<1280x10xf32>
    %mul3A_142 = arith.mulf %mul3A_141, %add3A_137 : vector<1280x10xf32>
    %select_n3A_143 = arith.select %ge3A_139, %add3A_137, %mul3A_142 : vector<1280x10xi1>, vector<1280x10xf32>
    %convert_element_type3A_144 = arith.truncf %select_n3A_143 : vector<1280x10xf32> to vector<1280x10xbf16>
    %convert_element_type3A_145 = arith.truncf %get3A_94 : vector<10x10xf32> to vector<10x10xbf16>
    %dot_general3A_146 = arith.constant dense<0.000000e+00> : vector<1280x10xf32>
    %dot_general3A_147 = tpu.matmul %convert_element_type3A_144, %convert_element_type3A_145, %dot_general3A_146 {dimension_numbers = #tpu.dot_dimension_numbers<[1], [1], [0], [0], [0, 0, 1, 0], [], []>, transpose_lhs_hint = false} : vector<1280x10xbf16>, vector<10x10xbf16>, vector<1280x10xf32> -> vector<1280x10xf32>
    %add3A_148 = vector.broadcast %get3A_97 : vector<1x10xf32> to vector<1280x10xf32>
    %add3A_149 = arith.addf %dot_general3A_147, %add3A_148 : vector<1280x10xf32>
    %ge3A_150 = arith.constant 0.000000e+00 : f32
    %ge3A_151 = vector.broadcast %ge3A_150 : f32 to vector<1280x10xf32>
    %ge3A_152 = arith.cmpf oge, %add3A_149, %ge3A_151 : vector<1280x10xf32>
    %mul3A_153 = arith.constant 2.000000e-01 : f32
    %mul3A_154 = vector.broadcast %mul3A_153 : f32 to vector<1280x10xf32>
    %mul3A_155 = arith.mulf %mul3A_154, %add3A_149 : vector<1280x10xf32>
    %select_n3A_156 = arith.select %ge3A_152, %add3A_149, %mul3A_155 : vector<1280x10xi1>, vector<1280x10xf32>
    %convert_element_type3A_157 = arith.truncf %select_n3A_156 : vector<1280x10xf32> to vector<1280x10xbf16>
    %convert_element_type3A_158 = arith.extf %convert_element_type3A_157 : vector<1280x10xbf16> to vector<1280x10xf32>
    %mul3A_159 = vector.broadcast %convert_element_type3A_102 : vector<1x10xf32> to vector<1280x10xf32>
    %mul3A_160 = arith.mulf %convert_element_type3A_158, %mul3A_159 : vector<1280x10xf32>
    %reduce_sum3A_161 = arith.constant dense<0.000000e+00> : vector<1280xf32>
    %reduce_sum3A_162 = vector.multi_reduction <add>, %mul3A_160, %reduce_sum3A_161 [1] : vector<1280x10xf32> to vector<1280xf32>
    %broadcast_in_dim3A_163 = vector.shape_cast %reduce_sum3A_162 : vector<1280xf32> to vector<1280x1xf32>
    %add3A_164 = vector.broadcast %get3A_105 : f32 to vector<1280x1xf32>
    %add3A_165 = arith.addf %broadcast_in_dim3A_163, %add3A_164 : vector<1280x1xf32>
    %slice3A_166 = vector.extract_strided_slice %add3A_165 {offsets = [0, 0], sizes = [320, 1], strides = [1, 1]} : vector<1280x1xf32> to vector<320x1xf32>
    %mul3A_167 = vector.broadcast %slice3A_166 : vector<320x1xf32> to vector<320x320xf32>
    %mul3A_168 = arith.mulf %mul3A_167, %convert_element_type3A_28 : vector<320x320xf32>
    %slice3A_169 = vector.extract_strided_slice %add3A_165 {offsets = [320, 0], sizes = [320, 1], strides = [1, 1]} : vector<1280x1xf32> to vector<320x1xf32>
    %mul3A_170 = vector.broadcast %slice3A_169 : vector<320x1xf32> to vector<320x320xf32>
    %mul3A_171 = arith.mulf %mul3A_170, %convert_element_type3A_46 : vector<320x320xf32>
    %add3A_172 = arith.addf %mul3A_168, %mul3A_171 : vector<320x320xf32>
    %slice3A_173 = vector.extract_strided_slice %add3A_165 {offsets = [640, 0], sizes = [320, 1], strides = [1, 1]} : vector<1280x1xf32> to vector<320x1xf32>
    %mul3A_174 = vector.broadcast %slice3A_173 : vector<320x1xf32> to vector<320x320xf32>
    %mul3A_175 = arith.mulf %mul3A_174, %convert_element_type3A_64 : vector<320x320xf32>
    %add3A_176 = arith.addf %add3A_172, %mul3A_175 : vector<320x320xf32>
    %slice3A_177 = vector.extract_strided_slice %add3A_165 {offsets = [960, 0], sizes = [320, 1], strides = [1, 1]} : vector<1280x1xf32> to vector<320x1xf32>
    %mul3A_178 = vector.broadcast %slice3A_177 : vector<320x1xf32> to vector<320x320xf32>
    %mul3A_179 = arith.mulf %mul3A_178, %convert_element_type3A_82 : vector<320x320xf32>
    %add3A_180 = arith.addf %add3A_176, %mul3A_179 : vector<320x320xf32>
    %get3A_181 = arith.constant 0 : index
    %get3A_182 = arith.constant 0 : index
    %get3A_183 = vector.load %arg4[%get3A_181, %get3A_182] : memref<320x512xf32, #tpu.memory_space<vmem>>, vector<320x512xf32>
    %convert_element_type3A_184 = arith.truncf %get3A_183 : vector<320x512xf32> to vector<320x512xbf16>
    %convert_element_type3A_185 = arith.truncf %add3A_180 : vector<320x320xf32> to vector<320x320xbf16>
    %dot_general3A_186 = arith.constant dense<0.000000e+00> : vector<320x512xf32>
    %dot_general3A_187 = tpu.matmul %convert_element_type3A_185, %convert_element_type3A_184, %dot_general3A_186 {dimension_numbers = #tpu.dot_dimension_numbers<[1], [0], [0], [1], [0, 0, 1, 1], [], []>, transpose_lhs_hint = false} : vector<320x320xbf16>, vector<320x512xbf16>, vector<320x512xf32> -> vector<320x512xf32>
    %convert_element_type3A_188 = arith.truncf %dot_general3A_187 : vector<320x512xf32> to vector<320x512xbf16>
    %get3A_189 = arith.constant 0 : index
    %get3A_190 = arith.constant 0 : index
    %get3A_191 = vector.load %arg11[%get3A_189, %get3A_190] : memref<512x512xbf16, #tpu.memory_space<vmem>>, vector<512x512xbf16>
    %dot_general3A_192 = arith.constant dense<0.000000e+00> : vector<320x512xf32>
    %dot_general3A_193 = tpu.matmul %convert_element_type3A_188, %get3A_191, %dot_general3A_192 {dimension_numbers = #tpu.dot_dimension_numbers<[1], [1], [0], [0], [0, 0, 1, 0], [], []>, transpose_lhs_hint = false} : vector<320x512xbf16>, vector<512x512xbf16>, vector<320x512xf32> -> vector<320x512xf32>
    %get3A_194 = arith.constant 0 : index
    %get3A_195 = arith.constant 0 : index
    %get3A_196 = vector.load %arg12[%get3A_194, %get3A_195] : memref<1x512xf32, #tpu.memory_space<vmem>>, vector<1x512xf32>
    %add3A_197 = vector.broadcast %get3A_196 : vector<1x512xf32> to vector<320x512xf32>
    %add3A_198 = arith.addf %dot_general3A_193, %add3A_197 : vector<320x512xf32>
    %convert_element_type3A_199 = arith.truncf %add3A_198 : vector<320x512xf32> to vector<320x512xbf16>
    %swap3A = arith.constant 0 : index
    %swap3A_200 = arith.constant 0 : index
    %swap3A_201 = vector.load %arg13[%swap3A, %swap3A_200] : memref<320x512xbf16, #tpu.memory_space<vmem>>, vector<320x512xbf16>
    tpu.vector_store %arg13[%swap3A, %swap3A_200], %convert_element_type3A_199 {strides = array<i32>} : memref<320x512xbf16, #tpu.memory_space<vmem>>, vector<320x512xbf16>,
    %eq3A_202 = arith.constant 0 : i32
    %eq3A_203 = arith.cmpi eq, %arg0, %eq3A_202 : i32
    %convert_element_type3A_204 = arith.extui %eq3A_203 : i1 to i32
    %cond3A = arith.constant 0 : i32
    %cond3A_205 = arith.cmpi ne, %convert_element_type3A_204, %cond3A : i32
    scf.if %cond3A_205 {
      %broadcast_in_dim3A_227 = arith.constant 0.000000e+00 : f32
      %broadcast_in_dim3A_228 = vector.broadcast %broadcast_in_dim3A_227 : f32 to vector<1x512xf32>
      %swap3A_229 = arith.constant 0 : index
      %swap3A_230 = arith.constant 0 : index
      %swap3A_231 = vector.load %arg14[%swap3A_229, %swap3A_230] : memref<1x512xf32, #tpu.memory_space<vmem>>, vector<1x512xf32>
      tpu.vector_store %arg14[%swap3A_229, %swap3A_230], %broadcast_in_dim3A_228 {strides = array<i32>} : memref<1x512xf32, #tpu.memory_space<vmem>>, vector<1x512xf32>,
      %broadcast_in_dim3A_232 = arith.constant 0.000000e+00 : f32
      %broadcast_in_dim3A_233 = vector.broadcast %broadcast_in_dim3A_232 : f32 to vector<1x512xf32>
      %swap3A_234 = arith.constant 0 : index
      %swap3A_235 = arith.constant 0 : index
      %swap3A_236 = vector.load %arg15[%swap3A_234, %swap3A_235] : memref<1x512xf32, #tpu.memory_space<vmem>>, vector<1x512xf32>
      tpu.vector_store %arg15[%swap3A_234, %swap3A_235], %broadcast_in_dim3A_233 {strides = array<i32>} : memref<1x512xf32, #tpu.memory_space<vmem>>, vector<1x512xf32>,
    } else {
    }
    %get3A_206 = arith.constant 0 : index
    %get3A_207 = arith.constant 0 : index
    %get3A_208 = vector.load %arg14[%get3A_206, %get3A_207] : memref<1x512xf32, #tpu.memory_space<vmem>>, vector<1x512xf32>
    %reduce_sum3A_209 = arith.constant dense<0.000000e+00> : vector<512xf32>
    %reduce_sum3A_210 = vector.multi_reduction <add>, %add3A_198, %reduce_sum3A_209 [0] : vector<320x512xf32> to vector<512xf32>
    %broadcast_in_dim3A_211 = vector.shape_cast %reduce_sum3A_210 : vector<512xf32> to vector<1x512xf32>
    %add3A_212 = arith.addf %get3A_208, %broadcast_in_dim3A_211 : vector<1x512xf32>
    %swap3A_213 = arith.constant 0 : index
    %swap3A_214 = arith.constant 0 : index
    %swap3A_215 = vector.load %arg14[%swap3A_213, %swap3A_214] : memref<1x512xf32, #tpu.memory_space<vmem>>, vector<1x512xf32>
    tpu.vector_store %arg14[%swap3A_213, %swap3A_214], %add3A_212 {strides = array<i32>} : memref<1x512xf32, #tpu.memory_space<vmem>>, vector<1x512xf32>,
    %get3A_216 = arith.constant 0 : index
    %get3A_217 = arith.constant 0 : index
    %get3A_218 = vector.load %arg15[%get3A_216, %get3A_217] : memref<1x512xf32, #tpu.memory_space<vmem>>, vector<1x512xf32>
    %mul3A_219 = arith.mulf %add3A_198, %add3A_198 : vector<320x512xf32>
    %reduce_sum3A_220 = arith.constant dense<0.000000e+00> : vector<512xf32>
    %reduce_sum3A_221 = vector.multi_reduction <add>, %mul3A_219, %reduce_sum3A_220 [0] : vector<320x512xf32> to vector<512xf32>
    %broadcast_in_dim3A_222 = vector.shape_cast %reduce_sum3A_221 : vector<512xf32> to vector<1x512xf32>
    %add3A_223 = arith.addf %get3A_218, %broadcast_in_dim3A_222 : vector<1x512xf32>
    %swap3A_224 = arith.constant 0 : index
    %swap3A_225 = arith.constant 0 : index
    %swap3A_226 = vector.load %arg15[%swap3A_224, %swap3A_225] : memref<1x512xf32, #tpu.memory_space<vmem>>, vector<1x512xf32>
    tpu.vector_store %arg15[%swap3A_224, %swap3A_225], %add3A_223 {strides = array<i32>} : memref<1x512xf32, #tpu.memory_space<vmem>>, vector<1x512xf32>,
    return
  }
  func.func @transform_0(%arg0: i32) -> (i32, i32) {
    %c0_i32 = arith.constant 0 : i32
    %c0_i32_0 = arith.constant 0 : i32
    return %arg0, %c0_i32 : i32, i32
  }
  func.func @transform_1(%arg0: i32) -> (i32, i32) {
    %c0_i32 = arith.constant 0 : i32
    %c0_i32_0 = arith.constant 0 : i32
    %c0_i32_1 = arith.constant 0 : i32
    return %c0_i32, %c0_i32_0 : i32, i32
  }
  func.func @transform_2(%arg0: i32) -> (i32, i32) {
    %c0_i32 = arith.constant 0 : i32
    %c0_i32_0 = arith.constant 0 : i32
    %c0_i32_1 = arith.constant 0 : i32
    return %c0_i32, %c0_i32_0 : i32, i32
  }
  func.func @transform_3(%arg0: i32) -> (i32, i32) {
    %c0_i32 = arith.constant 0 : i32
    %c0_i32_0 = arith.constant 0 : i32
    return %arg0, %c0_i32 : i32, i32
  }
  func.func @transform_4(%arg0: i32) -> (i32, i32) {
    %c0_i32 = arith.constant 0 : i32
    %c0_i32_0 = arith.constant 0 : i32
    %c0_i32_1 = arith.constant 0 : i32
    return %c0_i32, %c0_i32_0 : i32, i32
  }
  func.func @transform_5(%arg0: i32) -> (i32, i32) {
    %c0_i32 = arith.constant 0 : i32
    %c0_i32_0 = arith.constant 0 : i32
    %c0_i32_1 = arith.constant 0 : i32
    return %c0_i32, %c0_i32_0 : i32, i32
  }
  func.func @transform_6(%arg0: i32) -> (i32, i32) {
    %c0_i32 = arith.constant 0 : i32
    %c0_i32_0 = arith.constant 0 : i32
    %c0_i32_1 = arith.constant 0 : i32
    return %c0_i32, %c0_i32_0 : i32, i32
  }
  func.func @transform_7(%arg0: i32) -> (i32, i32) {
    %c0_i32 = arith.constant 0 : i32
    %c0_i32_0 = arith.constant 0 : i32
    %c0_i32_1 = arith.constant 0 : i32
    return %c0_i32, %c0_i32_0 : i32, i32
  }
  func.func @transform_8(%arg0: i32) -> (i32, i32) {
    %c0_i32 = arith.constant 0 : i32
    %c0_i32_0 = arith.constant 0 : i32
    %c0_i32_1 = arith.constant 0 : i32
    return %c0_i32, %c0_i32_0 : i32, i32
  }
  func.func @transform_9(%arg0: i32) -> (i32, i32) {
    %c0_i32 = arith.constant 0 : i32
    %c0_i32_0 = arith.constant 0 : i32
    %c0_i32_1 = arith.constant 0 : i32
    return %c0_i32, %c0_i32_0 : i32, i32
  }
  func.func @transform_10(%arg0: i32) -> (i32, i32) {
    %c0_i32 = arith.constant 0 : i32
    %c0_i32_0 = arith.constant 0 : i32
    %c0_i32_1 = arith.constant 0 : i32
    return %c0_i32, %c0_i32_0 : i32, i32
  }
  func.func @transform_11(%arg0: i32) -> (i32, i32) {
    %c0_i32 = arith.constant 0 : i32
    %c0_i32_0 = arith.constant 0 : i32
    %c0_i32_1 = arith.constant 0 : i32
    return %c0_i32, %c0_i32_0 : i32, i32
  }
  func.func @transform_12(%arg0: i32) -> (i32, i32) {
    %c0_i32 = arith.constant 0 : i32
    %c0_i32_0 = arith.constant 0 : i32
    return %arg0, %c0_i32 : i32, i32
  }
  func.func @transform_13(%arg0: i32) -> (i32, i32) {
    %c0_i32 = arith.constant 0 : i32
    %c0_i32_0 = arith.constant 0 : i32
    %c0_i32_1 = arith.constant 0 : i32
    return %c0_i32, %c0_i32_0 : i32, i32
  }
  func.func @transform_14(%arg0: i32) -> (i32, i32) {
    %c0_i32 = arith.constant 0 : i32
    %c0_i32_0 = arith.constant 0 : i32
    %c0_i32_1 = arith.constant 0 : i32
    return %c0_i32, %c0_i32_0 : i32, i32
  }
}

module attributes {stable_mosaic.version = 14 : i64} {
  func.func @_bn_kernel(%arg0: i32, %arg1: memref<2048x512xbf16, #tpu.memory_space<vmem>>, %arg2: memref<1x512xf32, #tpu.memory_space<vmem>>, %arg3: memref<1x512xf32, #tpu.memory_space<vmem>>, %arg4: memref<1x512xf32, #tpu.memory_space<vmem>>, %arg5: memref<1x512xf32, #tpu.memory_space<vmem>>, %arg6: memref<2048x512xf32, #tpu.memory_space<vmem>>) attributes {dimension_semantics = [#tpu.dimension_semantics<arbitrary>], iteration_bounds = array<i64: 10>, scalar_prefetch = 0 : i64, scratch_operands = 0 : i64, tpu.core_type = #tpu.core_type<tc>, window_params = [{transform_indices = @transform_0, window_bounds = array<i64: 2048, 512>}, {pipeline_mode = #tpu.pipeline_mode<synchronous>, transform_indices = @transform_1, window_bounds = array<i64: 1, 512>}, {pipeline_mode = #tpu.pipeline_mode<synchronous>, transform_indices = @transform_2, window_bounds = array<i64: 1, 512>}, {pipeline_mode = #tpu.pipeline_mode<synchronous>, transform_indices = @transform_3, window_bounds = array<i64: 1, 512>}, {pipeline_mode = #tpu.pipeline_mode<synchronous>, transform_indices = @transform_4, window_bounds = array<i64: 1, 512>}, {transform_indices = @transform_5, window_bounds = array<i64: 2048, 512>}]} {
    %get3A = arith.constant 0 : index
    %get3A_0 = arith.constant 0 : index
    %get3A_1 = vector.load %arg2[%get3A, %get3A_0] : memref<1x512xf32, #tpu.memory_space<vmem>>, vector<1x512xf32>
    %div3A = arith.constant 2.048000e+04 : f32
    %div3A_2 = vector.broadcast %div3A : f32 to vector<1x512xf32>
    %div3A_3 = arith.divf %get3A_1, %div3A_2 : vector<1x512xf32>
    %get3A_4 = arith.constant 0 : index
    %get3A_5 = arith.constant 0 : index
    %get3A_6 = vector.load %arg3[%get3A_4, %get3A_5] : memref<1x512xf32, #tpu.memory_space<vmem>>, vector<1x512xf32>
    %div3A_7 = arith.constant 2.048000e+04 : f32
    %div3A_8 = vector.broadcast %div3A_7 : f32 to vector<1x512xf32>
    %div3A_9 = arith.divf %get3A_6, %div3A_8 : vector<1x512xf32>
    %mul3A = arith.mulf %div3A_3, %div3A_3 : vector<1x512xf32>
    %sub3A = arith.subf %div3A_9, %mul3A : vector<1x512xf32>
    %add3A = arith.constant 9.99999974E-6 : f32
    %add3A_10 = vector.broadcast %add3A : f32 to vector<1x512xf32>
    %add3A_11 = arith.addf %sub3A, %add3A_10 : vector<1x512xf32>
    %rsqrt3A = math.rsqrt %add3A_11 : vector<1x512xf32>
    %get3A_12 = arith.constant 0 : index
    %get3A_13 = arith.constant 0 : index
    %get3A_14 = vector.load %arg1[%get3A_12, %get3A_13] : memref<2048x512xbf16, #tpu.memory_space<vmem>>, vector<2048x512xbf16>
    %convert_element_type3A = arith.extf %get3A_14 : vector<2048x512xbf16> to vector<2048x512xf32>
    %sub3A_15 = vector.broadcast %div3A_3 : vector<1x512xf32> to vector<2048x512xf32>
    %sub3A_16 = arith.subf %convert_element_type3A, %sub3A_15 : vector<2048x512xf32>
    %mul3A_17 = vector.broadcast %rsqrt3A : vector<1x512xf32> to vector<2048x512xf32>
    %mul3A_18 = arith.mulf %sub3A_16, %mul3A_17 : vector<2048x512xf32>
    %get3A_19 = arith.constant 0 : index
    %get3A_20 = arith.constant 0 : index
    %get3A_21 = vector.load %arg4[%get3A_19, %get3A_20] : memref<1x512xf32, #tpu.memory_space<vmem>>, vector<1x512xf32>
    %mul3A_22 = vector.broadcast %get3A_21 : vector<1x512xf32> to vector<2048x512xf32>
    %mul3A_23 = arith.mulf %mul3A_18, %mul3A_22 : vector<2048x512xf32>
    %get3A_24 = arith.constant 0 : index
    %get3A_25 = arith.constant 0 : index
    %get3A_26 = vector.load %arg5[%get3A_24, %get3A_25] : memref<1x512xf32, #tpu.memory_space<vmem>>, vector<1x512xf32>
    %add3A_27 = vector.broadcast %get3A_26 : vector<1x512xf32> to vector<2048x512xf32>
    %add3A_28 = arith.addf %mul3A_23, %add3A_27 : vector<2048x512xf32>
    %ge3A = arith.constant 0.000000e+00 : f32
    %ge3A_29 = vector.broadcast %ge3A : f32 to vector<2048x512xf32>
    %ge3A_30 = arith.cmpf oge, %add3A_28, %ge3A_29 : vector<2048x512xf32>
    %mul3A_31 = arith.constant 2.000000e-01 : f32
    %mul3A_32 = vector.broadcast %mul3A_31 : f32 to vector<2048x512xf32>
    %mul3A_33 = arith.mulf %mul3A_32, %add3A_28 : vector<2048x512xf32>
    %select_n3A = arith.select %ge3A_30, %add3A_28, %mul3A_33 : vector<2048x512xi1>, vector<2048x512xf32>
    %swap3A = arith.constant 0 : index
    %swap3A_34 = arith.constant 0 : index
    %swap3A_35 = vector.load %arg6[%swap3A, %swap3A_34] : memref<2048x512xf32, #tpu.memory_space<vmem>>, vector<2048x512xf32>
    tpu.vector_store %arg6[%swap3A, %swap3A_34], %select_n3A {strides = array<i32>} : memref<2048x512xf32, #tpu.memory_space<vmem>>, vector<2048x512xf32>,
    return
  }
  func.func @transform_0(%arg0: i32) -> (i32, i32) {
    %c0_i32 = arith.constant 0 : i32
    %c0_i32_0 = arith.constant 0 : i32
    return %arg0, %c0_i32 : i32, i32
  }
  func.func @transform_1(%arg0: i32) -> (i32, i32) {
    %c0_i32 = arith.constant 0 : i32
    %c0_i32_0 = arith.constant 0 : i32
    %c0_i32_1 = arith.constant 0 : i32
    return %c0_i32, %c0_i32_0 : i32, i32
  }
  func.func @transform_2(%arg0: i32) -> (i32, i32) {
    %c0_i32 = arith.constant 0 : i32
    %c0_i32_0 = arith.constant 0 : i32
    %c0_i32_1 = arith.constant 0 : i32
    return %c0_i32, %c0_i32_0 : i32, i32
  }
  func.func @transform_3(%arg0: i32) -> (i32, i32) {
    %c0_i32 = arith.constant 0 : i32
    %c0_i32_0 = arith.constant 0 : i32
    %c0_i32_1 = arith.constant 0 : i32
    return %c0_i32, %c0_i32_0 : i32, i32
  }
  func.func @transform_4(%arg0: i32) -> (i32, i32) {
    %c0_i32 = arith.constant 0 : i32
    %c0_i32_0 = arith.constant 0 : i32
    %c0_i32_1 = arith.constant 0 : i32
    return %c0_i32, %c0_i32_0 : i32, i32
  }
  func.func @transform_5(%arg0: i32) -> (i32, i32) {
    %c0_i32 = arith.constant 0 : i32
    %c0_i32_0 = arith.constant 0 : i32
    return %arg0, %c0_i32 : i32, i32
  }
}

</mosaic_0001>

<sc_bundles>
// kernel: sparse-core-data-format-call.cloned.1.call-start
scs
called_computation_lowered:
.L_overlay_start_0:
0x0: {  	s2 =	sld [smem:$0x3FD9]  }
0x1: {  	s3 =	sld [smem:$0x3FFE];
	_ =	sdelay $0x1  }
0x2: {  	s1 =	srdreg.scid  }
0x3: {  	s0 =	sand.u32 $0x1, s1  }
0x4: {  	s18 =	sshll.u32 s0, $0xA;
	s2 =	sadd.s32 s3, s2  }
0x5: {  	s2 =	sadd.s32 s2, s18  }
0x6: {  	[smem:$0x3FBC] =	sst s2  }
0x7: {  	_ = 	snop  }
0x8: {  	s2 =	sld [smem:$0x3FD0];
	(tm) =	ssettm $0x1  }
0x9: {  	s19 =	sld [smem:$0x3FFB];
	_ =	sdelay $0x3  }
0xa: {  	_ =	strace s19  }
0xb: {  	s3 =	sld [smem:$0x3FFC];
	_ =	sdelay $0x3  }
0xc: {  	_ =	strace s3  }
0xd: {  	s3 =	sld [smem:$0x3FFD];
	_ =	sdelay $0x3  }
0xe: {  	_ =	strace s3  }
0xf: {  	_ =	strace $0x8FFFFFFF  }
0x10: {  	s20 =	sld [smem:$0x3FDB];
	_ =	sdelay $0x1  }
0x11: {  	s4 =	simm.s32 $_scs_section_size  }
0x12: {  	s5 =	simm.s32 $_size__tile_overlayer_lowered;
	s6 =	simm.s32 $_tile_overlayer_lowered  }
0x13: {  	s23 =	simm.s32 $0x1BFF;
	s22 =	sshll.u32 s6, $0x1;
	s3 =	sadd.s32 s4, s20  }
0x14: {  	s7 =	simm.s32 $0x0;
	s21 =	sshll.u32 s5, $0x1;
	s5 =	sadd.s32 s22, s3  }
0x15: {  	[timem:s7], [sflag:s23] =	dma.local [hbm:s5], s21  }
0x16: {  	_ =	swait.ge [sflag:s23], s21  }
0x17: {  	s4 =	ssub.s32 $0x0, s21;
	[sflag:s23] =	ssyncset.done $0x0  }
0x18: {  	[sflag:s23] =	ssyncadd.s32 s4;
	_ =	sdelay $0x1  }
0x19: {  	s24 =	simm.s32 $0x1B8B  }
0x1a: {  	_ =	swait.ge [sflag:s24], $0x1  }
0x1b: {  	[sflag:s24] =	ssyncset.done $0x0  }
0x1c: {  	s26 =	simm.s32 $0x1B8E;
	s25 =	sld [smem:$0x3FFE];
	[sflag:s24] =	ssyncadd.s32 $0xFFFFFFFF  }
0x1d: {  	s27 =	simm.s32 $execute0_lowered;
	[smem:$0x3FD2] =	sst s26  }
0x1e: {  	s5 =	sshll.u32 s27, $0x1;
	_ =	strace $0x80000046;
	[dreg:$0x1] =	wrdreg $0xFFFFFFFF  }
0x1f: {  	s28 =	simm.s32 $_size_execute0_lowered;
	s3 =	sadd.s32 s3, s5;
	[dreg:$0x0] =	wrdreg $0x0  }
0x20: {  	s5 =	sshll.u32 s28, $0x1;
	[dreg:$0x2] =	wrdreg s3  }
0x21: {  	[dreg:$0x3] =	wrdreg s5  }
0x22: {  	[dreg:$0x4] =	wrdreg $0xC0  }
0x23: {  	_ =	task [dreg:s7], $0x5FFFF  }
0x24: {  	[dreg:$0x1] =	wrdreg $0xFFFFFFFF  }
0x25: {  	[dreg:$0x0] =	wrdreg $0x60  }
0x26: {  	[dreg:$0x2] =	wrdreg s25  }
0x27: {  	[dreg:$0x3] =	wrdreg s2  }
0x28: {  	[dreg:$0x4] =	wrdreg $0x9  }
0x29: {  	_ =	task.clear_ibuf [dreg:s7], $0x5FFFF;
	_ =	strace $0x90000046  }
0x2a: {  	s29 =	simm.s32 $0x9;
	_ =	strace $0x80000048  }
0x2b: {  	_ =	swait.ge [sflag:s29], $0x1  }
0x2c: {  	[sflag:s29] =	ssyncadd.s32 $0xFFFFFFFF  }
0x2d: {  	_ =	strace $0x90000048  }
0x2e: {  	_ =	sfence  }
0x2f: {  	s30 =	sld [smem:$0x0];
	_ =	sdelay $0x2  }
0x30: {  	s31 =	sshll.u32 s1, $0xD;
	s1 =	sshrl.u32 s1, $0x2  }
0x31: {  	s3 =	sand.u32 $0x4000, s31;
	s1 =	sadd.s32 s1, s30  }
0x32: {  	s0 =	sor.u32 s3, s0;
	s1 =	sshll.u32 s1, $0x11  }
0x33: {  	s0 =	sor.u32 s1, s0  }
0x34: {  	s0 =	sadd.s32 $0x8F2B, s0  }
0x35: {  	[sflag:s0] =	ssyncadd.remote.s32 $0x1  }
0x36: {  	_ =	sfence.sel $0xFFFF  }
0x37: {  	[dreg:$0x0] =	wrdreg $0xFFFFFFFF;
	(pc) =	sbr.abs _section_cstart, $3  }
0x38: {  	[dreg:$0x1] =	wrdreg $0xFFFFFFFF  }
0x39: {  	_ =	task.clear_ibuf [dreg:s7], $0x2FFFF;
	_ =	strace $0x9FFFFFFF  }
0x3a: {  	(tm) =	ssettm $0x7FFFFFFF  }
0x3b: {  	_ =	shalt  }
tec
execute0_lowered:
.L_overlay_start_1:
0x0: {  	(tag) =	ssettag $0x1  }
0x1: {  	s0 =	srdreg.scid  }
0x2: {  	s1 =	sshll.u32 s0, $0x4  }
0x3: {  	s8 =	rddreg [dreg:$0x0];
	s0 =	stileid.u32;
	s1 =	sand.u32 $0x10, s1  }
0x4: {  	s3 =	rddreg [dreg:$0x1];
	s29 =	sshll.u32 s0, $0x7;
	s7 =	sor.u32 s0, s1  }
0x5: {  	s30 =	simm.s32 $0x2;
	s1 =	sand.u32 $0x380, s29;
	s2 =	sshll.u32 s7, $0x4  }
0x6: {  	s18 =	simm.s32 $0x0;
	s4 =	ssub.s32 $0x400, s1;
	s2 =	sand.u32 $0x180, s2  }
0x7: {  	s11 =	simm.s32 $0x1000;
	s5 =	sand.u32 $0x380, s4;
	s6 =	ssub.s32 $0x200, s2  }
0x8: {  	p0 =	sne.s32 s5, $0x0;
	s5 =	simm.s32 $0x1;
	s9 =	sand.u32 $0x180, s6  }
0x9: {  	s5 =	simm.s32 @!p0 $0x0;
	p0 =	sne.s32 s9, $0x0;
	s9 =	simm.s32 $0x1  }
0xa: {  	s10 =	sshrl.u32 s4, $0xA;
	s6 =	sshrl.u32 s6, $0x9;
	s9 =	simm.s32 @!p0 $0x0  }
0xb: {  	s12 =	simm.s32 $0x0;
	s10 =	sadd.s32 s5, s10;
	s6 =	sadd.s32 s9, s6  }
0xc: {  	s16 =	simm.s32 $0x0;
	s17 =	simm.s32 $0x0;
	s6 =	smul.u32 s6, s10  }
.Ltmp0:
0xd: {  	s13 =	simm.s32 $0x0;
	s15 =	simm.s32 $0x0;
	(pc) =	sbr.rel .LBB1_1-.Ltmp0, $4  }
0xe: {  	s31 =	sshll.u32 s7, $0x7;
	s7 =	sadd.s32 $0x1E00, s8;
	s4 =	rddreg [dreg:$0x2]  }
0xf: {  	_ =	strace $0x80000047;
	s5 =	simm.s32 $0x1;
	s6 =	smul.u32 $0x14, s6  }
0x10: {  	s14 =	smov.u32 s1;
	s8 =	sand.u32 $0xC00, s31;
	[sflag:s5] =	ssyncpa.u1 $0x0  }
0x11: {  	[sflag:s30] =	ssyncpa.u1 $0x0;
	s10 =	simm.s32 $0x400;
	s9 =	sor.u32 $0x1, s6  }
.LBB1_4:
0x12: {  	_ =	sdelay $0x3  }
0x13: {  	[tilespmem:v0+s21+$0xFFFFFFD0 ss:$0x1] =	vst.idx.msk $0xffff, v6  }
0x14: {  	v56 =	vld.idx.msk [tilespmem:v1+s20+$0x0 ss:$0x1], $0xffff;
	[tilespmem:v0+s21+$0xFFFFFFE0 ss:$0x1] =	vst.idx.msk $0xffff, v4  }
0x15: {  	v57 =	vld.idx.msk [tilespmem:v1+s20+$0xFFFFFF90 ss:$0x1], $0xffff;
	[tilespmem:v0+s21+$0xFFFFFFF0 ss:$0x1] =	vst.idx.msk $0xffff, v2  }
0x16: {  	v58 =	vld.idx.msk [tilespmem:v1+s20+$0xFFFFFFA0 ss:$0x1], $0xffff;
	[tilespmem:v0+s21+$0x0 ss:$0x1] =	vst.idx.msk $0xffff, v3  }
0x17: {  	v59 =	vld.idx.msk [tilespmem:v1+s20+$0xFFFFFFB0 ss:$0x1], $0xffff;
	[tilespmem:v0+s21+$0x10 ss:$0x1] =	vst.idx.msk $0xffff, v5  }
0x18: {  	v60 =	vld.idx.msk [tilespmem:v1+s20+$0xFFFFFFC0 ss:$0x1], $0xffff;
	[tilespmem:v0+s21+$0x20 ss:$0x1] =	vst.idx.msk $0xffff, v7  }
0x19: {  	v61 =	vld.idx.msk [tilespmem:v1+s20+$0xFFFFFFD0 ss:$0x1], $0xffff;
	[tilespmem:v0+s20+$0x30 ss:$0x1] =	vst.idx.msk $0xffff, v56  }
0x1a: {  	v62 =	vld.idx.msk [tilespmem:v1+s20+$0xFFFFFFE0 ss:$0x1], $0xffff;
	s29 =	sshll.u32 s17, $0x9;
	[tilespmem:v0+s20+$0xFFFFFFC0 ss:$0x1] =	vst.idx.msk $0xffff, v57  }
0x1b: {  	v63 =	vld.idx.msk [tilespmem:v1+s20+$0xFFFFFFF0 ss:$0x1], $0xffff;
	s18 =	sshll.u32 s18, $0x3;
	s22 =	sshll.u32 s17, $0x7;
	s21 =	sand.u32 $0x7F000, s29;
	[tilespmem:v0+s20+$0xFFFFFFD0 ss:$0x1] =	vst.idx.msk $0xffff, v58  }
0x1c: {  	s30 =	sand.u32 $0x200, s22;
	s18 =	sor.u32 s21, s18;
	[tilespmem:v0+s20+$0xFFFFFFE0 ss:$0x1] =	vst.idx.msk $0xffff, v59  }
0x1d: {  	s16 =	sshll.u32 s16, $0x10;
	s31 =	sshll.u32 s17, $0x4;
	s18 =	sor.u32 s30, s18;
	[tilespmem:v0+s20+$0xFFFFFFF0 ss:$0x1] =	vst.idx.msk $0xffff, v60  }
0x1e: {  	s17 =	sand.u32 $0x30, s31;
	s16 =	sadd.s32 s3, s16;
	s18 =	sshrl.u32 s18, $0x3;
	[tilespmem:v0+s20+$0x0 ss:$0x1] =	vst.idx.msk $0xffff, v61  }
0x1f: {  	s16 =	sadd.s32 s17, s16;
	[tilespmem:v0+s20+$0x10 ss:$0x1] =	vst.idx.msk $0xffff, v62;
	s18 =	sand.u32 $0xFFC0, s18  }
0x20: {  	[tilespmem:v0+s20+$0x20 ss:$0x1] =	vst.idx.msk $0xffff, v63;
	s16 =	sadd.s32 s18, s16  }
0x21: {  	[hbm4b:s16+s10] =	stream.strided.scatter [tilespmem:s19], [sflag:$0x2], $0x4000, s11, s10, $0x38;
	[tilespmem:$0x10000] =	vst v63  }
.LBB1_5:
0x22: {  	s19 =	sadd.s32 $0x1, s13  }
0x23: {  	s16 =	sadd.s32 $0x400, s14;
	s20 =	smov.u32 s14;
	p1 =	sgt.s32 s19, $0x13  }
0x24: {  	s20 =	smov.u32 @p1 s16  }
0x25: {  	s19 =	simm.s32 @p1 $0x0;
	p1 =	sgt.s32 s20, $0x3FF  }
0x26: {  	s20 =	smov.u32 @p1 s1;
	p1 =	sne.s32 s15, s9  }
.Ltmp1:
0x27: {  	p0 =	slt.u32 s15, $0x2;
	(pc) =	sbr.rel @!p1 .LBB1_6-.Ltmp1, $4  }
0x28: {  	s17 =	smov.u32 s14;
	s18 =	simm.s32 @!p0 $0x2  }
0x29: {  	s12 =	sadd.s32 $0x4000, s12;
	_ =	swait.ge @!p0 [sflag:s18], $0x4000;
	s16 =	smov.u32 s13  }
0x2a: {  	[sflag:s18] =	ssyncset.done @!p0 $0x0;
	s13 =	smov.u32 s19;
	s15 =	sadd.s32 $0x1, s15  }
0x2b: {  	[sflag:s18] =	ssyncadd.s32 @!p0 $0xFFFFC000;
	s18 =	smov.u32 s2;
	s14 =	smov.u32 s20  }
.LBB1_1:
0x2c: {  	p0 =	sge.u32 s15, s6  }
0x2d: {  	s19 =	sshll.u32 @!p0 s13, $0x9  }
0x2e: {  	s20 =	sshll.u32 @!p0 s13, $0x7;
	s19 =	sand.u32 @!p0 $0xFFFFF000, s19  }
0x2f: {  	s20 =	sand.u32 @!p0 $0x200, s20;
	s19 =	sor.u32 @!p0 s8, s19  }
0x30: {  	s19 =	sor.u32 @!p0 s20, s19  }
0x31: {  	s19 =	sshrl.u32 @!p0 s19, $0x9  }
0x32: {  	s20 =	smulhi.u32 @!p0 $0xAAAAAAB, s19;
	_ =	sdelay $0x1  }
0x33: {  	s20 =	smul.u32 @!p0 $0x18, s20  }
0x34: {  	s31 =	sadd.s32 $0xFFFFFFFF, s15;
	s21 =	smul.u32 @!p0 $0x600, s14  }
0x35: {  	s22 =	sxor.u32 @!p0 $0xFFFFFFFF, s15;
	s19 =	ssub.s32 @!p0 s19, s20;
	s20 =	sshll.u32 @!p0 s13, $0x4  }
0x36: {  	s22 =	sshll.u32 @!p0 s22, $0xE;
	s21 =	sadd.s32 @!p0 s7, s21;
	s20 =	sand.u32 @!p0 $0x30, s20  }
0x37: {  	s22 =	sand.u32 @!p0 $0x4000, s22;
	s19 =	sshll.u32 @!p0 s19, $0x6;
	s20 =	sadd.s32 @!p0 s20, s21  }
0x38: {  	s21 =	simm.s32 @!p0 $0x3000;
	s19 =	sadd.s32 @!p0 s19, s20;
	s20 =	simm.s32 @!p0 $0x80  }
0x39: {  	[tilespmem:s22], [sflag:$0x1] =	stream.strided.gather @!p0 [hbm4b:s19+s20], $0x4000, s21, s20, $0x38;
	[tilespmem:$0x10000] =	vst v63  }
0x3a: {  	p0 =	sge.u32 s31, s6  }
.Ltmp2:
0x3b: {  	_ = 	snop;
	(pc) =	sbr.rel @p0 .LBB1_5-.Ltmp2, $1  }
0x3c: {  	_ =	sdelay $0x3  }
0x3d: {  	s19 =	sand.u32 $0x4000, s12  }
0x3e: {  	s20 =	sor.u32 $0x70, s19  }
0x3f: {  	v1 =	vmov s20;
	_ =	sdelay $0x1  }
0x40: {  	_ =	swait.ge [sflag:s5], $0x4000  }
0x41: {  	[sflag:s5] =	ssyncset.done $0x0  }
0x42: {  	s21 =	simm.s32 $0x0;
	[sflag:s5] =	ssyncadd.s32 $0xFFFFC000  }
0x43: {  	s19 =	sor.u32 $0x8040, s19;
	v7 =	vld.idx.msk [tilespmem:v1+s21+$0x0 ss:$0x1], $0xffff  }
0x44: {  	v0 =	vmov s19;
	v8 =	vld.idx.msk [tilespmem:v1+s21+$0xFFFFFF90 ss:$0x1], $0xffff  }
0x45: {  	v6 =	vld.idx.msk [tilespmem:v1+s21+$0xFFFFFFA0 ss:$0x1], $0xffff  }
0x46: {  	v4 =	vld.idx.msk [tilespmem:v1+s21+$0xFFFFFFB0 ss:$0x1], $0xffff  }
0x47: {  	v2 =	vld.idx.msk [tilespmem:v1+s21+$0xFFFFFFC0 ss:$0x1], $0xffff  }
0x48: {  	s31 =	sshll.u32 s15, $0xE;
	v3 =	vld.idx.msk [tilespmem:v1+s21+$0xFFFFFFD0 ss:$0x1], $0xffff  }
0x49: {  	s19 =	sand.u32 $0x4000, s31;
	v5 =	vld.idx.msk [tilespmem:v1+s21+$0xFFFFFFE0 ss:$0x1], $0xffff;
	[tilespmem:v0+s21+$0x30 ss:$0x1] =	vst.idx.msk $0xffff, v7  }
0x4a: {  	s22 =	simm.s32 $0x400;
	s20 =	simm.s32 $0x80;
	s19 =	sor.u32 $0x8000, s19;
	[tilespmem:v0+s21+$0xFFFFFFC0 ss:$0x1] =	vst.idx.msk $0xffff, v8;
	v7 =	vld.idx.msk [tilespmem:v1+s21+$0xFFFFFFF0 ss:$0x1], $0xffff  }
.LBB1_3:
0x4b: {  	p0 =	sne.s32 s22, $0xFE00;
	v8 =	vld.idx.msk [tilespmem:v1+s20+$0x0 ss:$0x1], $0xffff;
	[tilespmem:v0+s21+$0xFFFFFFD0 ss:$0x1] =	vst.idx.msk $0xffff, v6  }
0x4c: {  	v9 =	vld.idx.msk [tilespmem:v1+s20+$0xFFFFFF90 ss:$0x1], $0xffff;
	[tilespmem:v0+s21+$0xFFFFFFE0 ss:$0x1] =	vst.idx.msk $0xffff, v4  }
0x4d: {  	v6 =	vld.idx.msk [tilespmem:v1+s20+$0xFFFFFFA0 ss:$0x1], $0xffff;
	[tilespmem:v0+s21+$0xFFFFFFF0 ss:$0x1] =	vst.idx.msk $0xffff, v2  }
.Ltmp3:
0x4e: {  	v4 =	vld.idx.msk [tilespmem:v1+s20+$0xFFFFFFB0 ss:$0x1], $0xffff;
	[tilespmem:v0+s21+$0x0 ss:$0x1] =	vst.idx.msk $0xffff, v3;
	(pc) =	sbr.rel @p0 .LBB1_3-.Ltmp3, $4  }
0x4f: {  	v2 =	vld.idx.msk [tilespmem:v1+s20+$0xFFFFFFC0 ss:$0x1], $0xffff;
	[tilespmem:v0+s21+$0x10 ss:$0x1] =	vst.idx.msk $0xffff, v5  }
0x50: {  	v3 =	vld.idx.msk [tilespmem:v1+s20+$0xFFFFFFD0 ss:$0x1], $0xffff;
	[tilespmem:v0+s21+$0x20 ss:$0x1] =	vst.idx.msk $0xffff, v7;
	s21 =	smov.u32 s20  }
0x51: {  	v5 =	vld.idx.msk [tilespmem:v1+s21+$0xFFFFFFE0 ss:$0x1], $0xffff;
	[tilespmem:v0+s21+$0x30 ss:$0x1] =	vst.idx.msk $0xffff, v8  }
0x52: {  	s20 =	sshra.s32 s22, $0x2;
	s22 =	sadd.s32 $0x200, s22;
	[tilespmem:v0+s21+$0xFFFFFFC0 ss:$0x1] =	vst.idx.msk $0xffff, v9;
	v7 =	vld.idx.msk [tilespmem:v1+s21+$0xFFFFFFF0 ss:$0x1], $0xffff  }
.Ltmp4:
0x53: {  	_ = 	snop;
	(pc) =	sbr.rel .LBB1_4-.Ltmp4, $1  }
0x54: {  	_ =	sdelay $0x3  }
.LBB1_6:
0x55: {  	_ =	sfence.sel $0x180000  }
0x56: {  	s1 =	simm.s32 $0x1;
	[bflag:$0x0] =	sbarrier.arrive $0xFFFF  }
0x57: {  	s31 =	simm.s32 $0x2;
	[sflag:s1] =	ssyncpa.u1 $0x1  }
0x58: {  	[sflag:s31] =	ssyncpa.u1 $0x1  }
0x59: {  	p0 =	sne.s32 s0, $0x0;
	_ =	strace $0x90000047  }
0x5a: {  	s0 =	sadd.s32 @!p0 $0x100000, s4;
	[bflag:$0x2] =	sbarrier.arrive $0xFFFF  }
0x5b: {  	[sflag:s0] =	ssyncadd.tile.s32 @!p0 $0x1;
	_ =	shalt  }
.Lfunc_end1:
_tile_overlayer_lowered:
.L_overlay_start_2:
0x5c: {  	(tag) =	ssettag $0x2  }
0x5d: {  	s0 =	rddreg [dreg:$0x0];
	s2 =	stileid.u32  }
0x5e: {  	s1 =	rddreg [dreg:$0x1];
	p0 =	sne.s32 s2, $0x0  }
0x5f: {  	s3 =	rddreg [dreg:$0x2];
	[bflag:$0x3] =	sbarrier.arrive $0xFFFF;
	s2 =	simm.s32 @!p0 $0x1C01  }
0x60: {  	[timem:s3], [sflag:s2] =	dma.local @!p0 [hbm:s0], s1  }
0x61: {  	s0 =	simm.s32 @!p0 $0x1  }
0x62: {  	_ =	swait.ge @!p0 [sflag:s0], s1  }
0x63: {  	s1 =	ssub.s32 @!p0 $0x0, s1;
	[sflag:s0] =	ssyncset.done @!p0 $0x0  }
0x64: {  	[sflag:s0] =	ssyncadd.s32 @!p0 s1  }
0x65: {  	[bflag:$0x3] =	sbarrier.arrive $0xFFFF  }
0x66: {  	_ =	shalt  }

</sc_bundles>
